<compile_context>
chip_gen: v7x
topology: tpu7x:2x2x1
jax: 0.10.2.dev20260603
libtpu: 0.0.44.dev20260713+nightly
codegen_flags: <defaults>
</compile_context>

<pallas_src>
import functools

import jax
import jax.numpy as jnp
from jax import lax
from jax.experimental import pallas as pl
from jax.experimental.pallas import tpu as pltpu
from jax.experimental.pallas import tpu_sc as plsc

NUM_QUERIES = 900
D_MODEL = 1024
NUM_CLASSES = 91
BS = 4
SEQ = 8192
N_ROWS = BS * SEQ
SLOTS = 1024
BLK_M = 512



def _score_body(x_ref, wc_ref, w1_ref, w2_ref, maxc_ref, t2_ref, t3_ref):
    x = x_ref[...]
    logits = jnp.dot(x, wc_ref[...], preferred_element_type=jnp.float32)
    mask = jax.lax.broadcasted_iota(jnp.int32, logits.shape, 1) < NUM_CLASSES
    logits = jnp.where(mask, logits, -jnp.inf)
    maxc_ref[...] = jnp.max(logits, axis=-1)
    h = jax.nn.relu(jnp.dot(x, w1_ref[...], preferred_element_type=jnp.float32))
    t = jnp.dot(h, w2_ref[...], preferred_element_type=jnp.float32)
    t2_ref[...] = t[:, 2]
    t3_ref[...] = t[:, 3]


def _scores_pallas(memory, Wc, W1, W2):
    x = memory.reshape(N_ROWS, D_MODEL)
    wc_pad = jnp.zeros((D_MODEL, 128), jnp.float32).at[:, :NUM_CLASSES].set(Wc)
    w2_pad = jnp.zeros((D_MODEL, 128), jnp.float32).at[:, :4].set(W2)
    maxc, t2, t3 = pl.pallas_call(
        _score_body,
        grid=(N_ROWS // BLK_M,),
        in_specs=[
            pl.BlockSpec((BLK_M, D_MODEL), lambda i: (i, 0)),
            pl.BlockSpec((D_MODEL, 128), lambda i: (0, 0)),
            pl.BlockSpec((D_MODEL, D_MODEL), lambda i: (0, 0)),
            pl.BlockSpec((D_MODEL, 128), lambda i: (0, 0)),
        ],
        out_specs=[
            pl.BlockSpec((BLK_M,), lambda i: (i,)),
            pl.BlockSpec((BLK_M,), lambda i: (i,)),
            pl.BlockSpec((BLK_M,), lambda i: (i,)),
        ],
        out_shape=[
            jax.ShapeDtypeStruct((N_ROWS,), jnp.float32),
            jax.ShapeDtypeStruct((N_ROWS,), jnp.float32),
            jax.ShapeDtypeStruct((N_ROWS,), jnp.float32),
        ],
    )(x, wc_pad, W1, w2_pad)
    return (maxc.reshape(BS, SEQ), t2.reshape(BS, SEQ), t3.reshape(BS, SEQ))



def _topk_body(s_ref, out_ref):
    bits = jax.lax.bitcast_convert_type(s_ref[0], jnp.int32)

    def count_ge(t):
        return jnp.sum((bits >= t).astype(jnp.int32), axis=1, keepdims=True)

    def step(_, lohi):
        lo, hi = lohi
        mid = lo + ((hi - lo) >> 1)
        ge = count_ge(mid) >= NUM_QUERIES
        return (jnp.where(ge, mid, lo), jnp.where(ge, hi, mid))

    lo = jnp.zeros((1, 1), jnp.int32)
    hi = jnp.full((1, 1), 1 << 30, jnp.int32)
    lo, hi = jax.lax.fori_loop(0, 31, step, (lo, hi))
    thr = lo

    cand = bits >= thr
    s = cand.astype(jnp.int32)
    z = jnp.zeros_like(s)
    k = 1
    while k < SEQ:
        s = s + jnp.concatenate([z[:, :k], s[:, :-k]], axis=1)
        k *= 2
    pos = s - 1

    slot_iota = jax.lax.broadcasted_iota(jnp.int32, (SLOTS, SLOTS), 0)
    col_iota = jax.lax.broadcasted_iota(jnp.int32, (1, SLOTS), 1)

    comp = jnp.zeros((SLOTS, 6), jnp.float32)
    for c in range(SEQ // SLOTS):
        sl = slice(c * SLOTS, (c + 1) * SLOTS)
        p = pos[:, sl]
        m = cand[:, sl]
        bt = bits[:, sl]
        col = col_iota + c * SLOTS
        oh = jnp.where((slot_iota == p) & m, 1.0, 0.0)
        vals = jnp.concatenate(
            [((col >> 8) & 0xFF).astype(jnp.float32),
             (col & 0xFF).astype(jnp.float32),
             ((bt >> 24) & 0xFF).astype(jnp.float32),
             ((bt >> 16) & 0xFF).astype(jnp.float32),
             ((bt >> 8) & 0xFF).astype(jnp.float32),
             (bt & 0xFF).astype(jnp.float32)], axis=0)
        comp = comp + jax.lax.dot_general(
            oh, vals, (((1,), (1,)), ((), ())),
            preferred_element_type=jnp.float32)

    idx = (comp[:, 0].astype(jnp.int32) << 8) | comp[:, 1].astype(jnp.int32)
    cbits = ((comp[:, 2].astype(jnp.int32) << 24)
             | (comp[:, 3].astype(jnp.int32) << 16)
             | (comp[:, 4].astype(jnp.int32) << 8)
             | comp[:, 5].astype(jnp.int32))
    gt = (cbits[None, :] > cbits[:, None])
    tie = (cbits[None, :] == cbits[:, None]) & (idx[None, :] < idx[:, None])
    rank = jnp.sum((gt | tie).astype(jnp.int32), axis=1)
    ohr = jnp.where(slot_iota == rank[None, :], 1.0, 0.0)
    idx2 = jnp.concatenate(
        [((idx >> 8) & 0xFF)[None, :].astype(jnp.float32),
         (idx & 0xFF)[None, :].astype(jnp.float32)], axis=0)
    srt = jax.lax.dot_general(
        ohr, idx2, (((1,), (1,)), ((), ())),
        preferred_element_type=jnp.float32)
    out_ref[0, 0, :] = (srt[:, 0].astype(jnp.int32) << 8) | srt[:, 1].astype(jnp.int32)


def _topk_pallas(scores):
    out = pl.pallas_call(
        _topk_body,
        grid=(BS,),
        in_specs=[pl.BlockSpec((1, 1, SEQ), lambda b: (b, 0, 0))],
        out_specs=pl.BlockSpec((1, 1, SLOTS), lambda b: (b, 0, 0)),
        out_shape=jax.ShapeDtypeStruct((BS, 1, SLOTS), jnp.int32),
    )(scores.reshape(BS, 1, SEQ))
    return out.reshape(BS, SLOTS)



def _gather_sc(table, flat_idx):
    info = plsc.get_sparse_core_info()
    nw = info.num_cores * info.num_subcores
    n = flat_idx.shape[0]
    b_per_w = n // nw
    chunk = 64
    nchunk = b_per_w // chunk
    mesh = plsc.VectorSubcoreMesh(core_axis_name="c", subcore_axis_name="s")

    @functools.partial(
        pl.kernel, mesh=mesh,
        out_type=jax.ShapeDtypeStruct((n, D_MODEL), jnp.float32),
        scratch_types=[
            pltpu.VMEM((nchunk, chunk), jnp.int32),
            pltpu.VMEM((chunk, D_MODEL), jnp.float32),
            pltpu.SemaphoreType.DMA,
        ],
    )
    def gk(table_hbm, idx_hbm, out_hbm, idx_v, rows_v, sem):
        wid = lax.axis_index("s") * info.num_cores + lax.axis_index("c")
        pltpu.sync_copy(idx_hbm.at[wid], idx_v)
        for j in range(nchunk):
            pltpu.async_copy(table_hbm.at[idx_v.at[j]], rows_v, sem).wait()
            pltpu.sync_copy(
                rows_v, out_hbm.at[pl.ds(wid * b_per_w + j * chunk, chunk)])

    return gk(table, flat_idx.reshape(nw, nchunk, chunk))



def kernel(memory, spatial_shapes, level_start_index, Wc, bc, W1, b1, W2, b2):
    output_class = memory @ Wc + bc
    h = jax.nn.relu(memory @ W1 + b1)
    output_coord = jax.nn.sigmoid(h @ W2 + b2)
    cls_scores = jnp.max(jax.nn.sigmoid(output_class), axis=-1)
    iou_scores = output_coord[..., 2] * output_coord[..., 3]
    scores = 1.0 - jnp.abs(cls_scores - iou_scores)

    _, topk_indices = jax.lax.top_k(scores, NUM_QUERIES)
    pad = jnp.broadcast_to(
        jnp.arange(SLOTS - NUM_QUERIES, dtype=jnp.int32)[None, :],
        (BS, SLOTS - NUM_QUERIES))
    padded = jnp.concatenate([topk_indices, pad], axis=1)

    flat = (padded + (jnp.arange(BS, dtype=jnp.int32) * SEQ)[:, None]).reshape(-1)
    rows = _gather_sc(memory.reshape(N_ROWS, D_MODEL), flat)
    selected_memory = rows.reshape(BS, SLOTS, D_MODEL)[:, :NUM_QUERIES, :]
    return (selected_memory, topk_indices)

# --- scband reference (transcript-rebuilt; emitter-appended) ---
"""Pipeline reference for scband-uncertainty-query-selection-21680994910426 (READ-ONLY COPY).

The authoritative reference and input builder live on the scoring server;
editing this copy changes nothing except your own understanding.
"""

import jax, jax.numpy as jnp
import numpy as np

NUM_QUERIES = 900
D_MODEL = 1024
NUM_CLASSES = 91
BS = 4
SEQ = 8192


def setup_inputs(seed: int = 0) -> dict:
    key = jax.random.key(seed)
    ks = jax.random.split(key, 8)
    memory = jax.random.normal(ks[0], (BS, SEQ, D_MODEL), dtype=jnp.float32)
    spatial_shapes = jax.random.randint(ks[1], (4, 2), 0, 128)
    level_start_index = jnp.sort(jax.random.randint(ks[2], (4,), 0, SEQ))
    Wc = jax.random.normal(ks[3], (D_MODEL, NUM_CLASSES), dtype=jnp.float32) * 0.02
    bc = jnp.zeros((NUM_CLASSES,), dtype=jnp.float32)
    W1 = jax.random.normal(ks[4], (D_MODEL, D_MODEL), dtype=jnp.float32) * 0.02
    b1 = jnp.zeros((D_MODEL,), dtype=jnp.float32)
    W2 = jax.random.normal(ks[5], (D_MODEL, 4), dtype=jnp.float32) * 0.02
    b2 = jnp.zeros((4,), dtype=jnp.float32)
    return {"memory": memory, "spatial_shapes": spatial_shapes,
            "level_start_index": level_start_index,
            "Wc": Wc, "bc": bc, "W1": W1, "b1": b1, "W2": W2, "b2": b2}


def reference(memory, spatial_shapes, level_start_index, Wc, bc, W1, b1, W2, b2):
    # cls_embed
    output_class = memory @ Wc + bc
    # box_embed: Linear -> ReLU -> Linear, then sigmoid
    h = jax.nn.relu(memory @ W1 + b1)
    output_coord = jax.nn.sigmoid(h @ W2 + b2)
    cls_scores = jnp.max(jax.nn.sigmoid(output_class), axis=-1)
    iou_scores = output_coord[..., 2] * output_coord[..., 3]
    uncertainty = jnp.abs(cls_scores - iou_scores)
    _, topk_indices = jax.lax.top_k(1.0 - uncertainty, NUM_QUERIES)
    selected_memory = jnp.take_along_axis(memory, topk_indices[..., None], axis=1)
    return (selected_memory, topk_indices)

if __name__ == "__main__":
    import jax
    _d = setup_inputs()
    print(jax.jit(kernel)(*tuple(_d.values())))

</pallas_src>

<mosaic_0001>
#map = affine_map<(d0, d1) -> (0, 0)>
#map1 = affine_map<(d0, d1) -> (0, 0, 0)>
module attributes {stable_mosaic.version = 14 : i64} {
  func.func @gk(%arg0: i32, %arg1: i32, %arg2: memref<32768x1024xf32, #tpu.memory_space<hbm>>, %arg3: memref<32x2x64xi32, #tpu.memory_space<hbm>>, %arg4: memref<4096x1024xf32, #tpu.memory_space<hbm>>, %arg5: memref<2x64xi32, #tpu.memory_space<vmem>>, %arg6: memref<64x1024xf32, #tpu.memory_space<vmem>>, %arg7: memref<!tpu.dma_semaphore, #tpu.memory_space<semaphore_mem>>) attributes {dimension_semantics = [#tpu.dimension_semantics<core_parallel>, #tpu.dimension_semantics<subcore_parallel>], iteration_bounds = array<i64: 2, 16>, scalar_prefetch = 0 : i64, scratch_operands = 3 : i64, tpu.core_type = #tpu.core_type<sc_vector_subcore>, window_params = [{transform_indices = #map}, {transform_indices = #map1}, {transform_indices = #map}]} {
    %mul3A = arith.constant 2 : i32
    %mul3A_0 = arith.muli %arg1, %mul3A : i32
    %add3A = arith.addi %mul3A_0, %arg0 : i32
    "tpu.region"() ({
      %run_scoped3A = tpu.sem_alloc : memref<!tpu.dma_semaphore, #tpu.memory_space<semaphore_mem>>
      %dma_start3A_35 = arith.constant 0 : i32
      %dma_start3A_36 = arith.constant 0 : i32
      %dma_start3A_37 = tpu.memref_slice %arg3[%add3A, %dma_start3A_35, %dma_start3A_36] : memref<32x2x64xi32, #tpu.memory_space<hbm>> -> memref<1x2x64xi32, #tpu.memory_space<hbm>>
      %dma_start3A_38 = tpu.memref_squeeze %dma_start3A_37 : memref<1x2x64xi32, #tpu.memory_space<hbm>> -> memref<2x64xi32, #tpu.memory_space<hbm>>
      %dma_start3A_39 = arith.constant 0 : i32
      %dma_start3A_40 = arith.constant 0 : i32
      %dma_start3A_41 = tpu.memref_slice %arg3[%add3A, %dma_start3A_39, %dma_start3A_40] : memref<32x2x64xi32, #tpu.memory_space<hbm>> -> memref<1x2x64xi32, #tpu.memory_space<hbm>>
      %dma_start3A_42 = tpu.memref_squeeze %dma_start3A_41 : memref<1x2x64xi32, #tpu.memory_space<hbm>> -> memref<2x64xi32, #tpu.memory_space<hbm>>
      tpu.enqueue_dma source(%dma_start3A_42 : memref<2x64xi32, #tpu.memory_space<hbm>>) target(%arg5 : memref<2x64xi32, #tpu.memory_space<vmem>>) target_semaphore(%run_scoped3A : memref<!tpu.dma_semaphore, #tpu.memory_space<semaphore_mem>>)
      %dma_wait3A_43 = arith.constant 0 : i32
      %dma_wait3A_44 = arith.constant 0 : i32
      %dma_wait3A_45 = tpu.memref_slice %arg3[%add3A, %dma_wait3A_43, %dma_wait3A_44] : memref<32x2x64xi32, #tpu.memory_space<hbm>> -> memref<1x2x64xi32, #tpu.memory_space<hbm>>
      %dma_wait3A_46 = tpu.memref_squeeze %dma_wait3A_45 : memref<1x2x64xi32, #tpu.memory_space<hbm>> -> memref<2x64xi32, #tpu.memory_space<hbm>>
      %dma_wait3A_47 = arith.constant 0 : i32
      %dma_wait3A_48 = arith.constant 0 : i32
      %dma_wait3A_49 = tpu.memref_slice %arg3[%add3A, %dma_wait3A_47, %dma_wait3A_48] : memref<32x2x64xi32, #tpu.memory_space<hbm>> -> memref<1x2x64xi32, #tpu.memory_space<hbm>>
      %dma_wait3A_50 = tpu.memref_squeeze %dma_wait3A_49 : memref<1x2x64xi32, #tpu.memory_space<hbm>> -> memref<2x64xi32, #tpu.memory_space<hbm>>
      tpu.wait_dma2 semaphore(%run_scoped3A : memref<!tpu.dma_semaphore, #tpu.memory_space<semaphore_mem>>) src(%dma_wait3A_50 : memref<2x64xi32, #tpu.memory_space<hbm>>) dst(%arg5 : memref<2x64xi32, #tpu.memory_space<vmem>>)
      tpu.yield
    }) : () -> ()
    %dma_start3A = arith.constant 0 : i32
    %dma_start3A_1 = arith.constant 0 : i32
    %dma_start3A_2 = tpu.memref_slice %arg5[%dma_start3A, %dma_start3A_1] : memref<2x64xi32, #tpu.memory_space<vmem>> -> memref<1x64xi32, #tpu.memory_space<vmem>>
    %dma_start3A_3 = tpu.memref_squeeze %dma_start3A_2 : memref<1x64xi32, #tpu.memory_space<vmem>> -> memref<64xi32, #tpu.memory_space<vmem>>
    %dma_start3A_4 = arith.constant 0 : i32
    %dma_start3A_5 = arith.constant 0 : i32
    %dma_start3A_6 = tpu.memref_slice %arg2[%dma_start3A_4, %dma_start3A_5] : memref<32768x1024xf32, #tpu.memory_space<hbm>> -> memref<32768x1024xf32, #tpu.memory_space<hbm>>
    tpu.enqueue_indirect_dma source(%dma_start3A_6 : memref<32768x1024xf32, #tpu.memory_space<hbm>>) target(%arg6 : memref<64x1024xf32, #tpu.memory_space<vmem>>) offsets(%dma_start3A_3 : memref<64xi32, #tpu.memory_space<vmem>>) semaphore(%arg7 : memref<!tpu.dma_semaphore, #tpu.memory_space<semaphore_mem>>)
    %dma_wait3A = arith.constant 0 : i32
    %dma_wait3A_7 = arith.constant 0 : i32
    %dma_wait3A_8 = tpu.memref_slice %arg5[%dma_wait3A, %dma_wait3A_7] : memref<2x64xi32, #tpu.memory_space<vmem>> -> memref<1x64xi32, #tpu.memory_space<vmem>>
    %dma_wait3A_9 = tpu.memref_squeeze %dma_wait3A_8 : memref<1x64xi32, #tpu.memory_space<vmem>> -> memref<64xi32, #tpu.memory_space<vmem>>
    %dma_wait3A_10 = arith.constant 0 : i32
    %dma_wait3A_11 = arith.constant 0 : i32
    %dma_wait3A_12 = tpu.memref_slice %arg2[%dma_wait3A_10, %dma_wait3A_11] : memref<32768x1024xf32, #tpu.memory_space<hbm>> -> memref<32768x1024xf32, #tpu.memory_space<hbm>>
    tpu.wait_indirect_dma semaphore(%arg7 : memref<!tpu.dma_semaphore, #tpu.memory_space<semaphore_mem>>) src(%dma_wait3A_12 : memref<32768x1024xf32, #tpu.memory_space<hbm>>) dst(%arg6 : memref<64x1024xf32, #tpu.memory_space<vmem>>)
    %mul3A_13 = arith.constant 128 : i32
    %mul3A_14 = arith.muli %add3A, %mul3A_13 : i32
    %add3A_15 = arith.constant 0 : i32
    %add3A_16 = arith.addi %mul3A_14, %add3A_15 : i32
    "tpu.region"() ({
      %run_scoped3A = tpu.sem_alloc : memref<!tpu.dma_semaphore, #tpu.memory_space<semaphore_mem>>
      %dma_start3A_35 = arith.constant 0 : i32
      %dma_start3A_36 = tpu.memref_slice %arg4[%add3A_16, %dma_start3A_35] : memref<4096x1024xf32, #tpu.memory_space<hbm>> -> memref<64x1024xf32, #tpu.memory_space<hbm>>
      %dma_start3A_37 = arith.constant 0 : i32
      %dma_start3A_38 = tpu.memref_slice %arg4[%add3A_16, %dma_start3A_37] : memref<4096x1024xf32, #tpu.memory_space<hbm>> -> memref<64x1024xf32, #tpu.memory_space<hbm>>
      tpu.enqueue_dma source(%arg6 : memref<64x1024xf32, #tpu.memory_space<vmem>>) target(%dma_start3A_38 : memref<64x1024xf32, #tpu.memory_space<hbm>>) target_semaphore(%run_scoped3A : memref<!tpu.dma_semaphore, #tpu.memory_space<semaphore_mem>>)
      %dma_wait3A_39 = arith.constant 0 : i32
      %dma_wait3A_40 = tpu.memref_slice %arg4[%add3A_16, %dma_wait3A_39] : memref<4096x1024xf32, #tpu.memory_space<hbm>> -> memref<64x1024xf32, #tpu.memory_space<hbm>>
      %dma_wait3A_41 = arith.constant 0 : i32
      %dma_wait3A_42 = tpu.memref_slice %arg4[%add3A_16, %dma_wait3A_41] : memref<4096x1024xf32, #tpu.memory_space<hbm>> -> memref<64x1024xf32, #tpu.memory_space<hbm>>
      tpu.wait_dma2 semaphore(%run_scoped3A : memref<!tpu.dma_semaphore, #tpu.memory_space<semaphore_mem>>) src(%arg6 : memref<64x1024xf32, #tpu.memory_space<vmem>>) dst(%dma_wait3A_42 : memref<64x1024xf32, #tpu.memory_space<hbm>>)
      tpu.yield
    }) : () -> ()
    %dma_start3A_17 = arith.constant 1 : i32
    %dma_start3A_18 = arith.constant 0 : i32
    %dma_start3A_19 = tpu.memref_slice %arg5[%dma_start3A_17, %dma_start3A_18] : memref<2x64xi32, #tpu.memory_space<vmem>> -> memref<1x64xi32, #tpu.memory_space<vmem>>
    %dma_start3A_20 = tpu.memref_squeeze %dma_start3A_19 : memref<1x64xi32, #tpu.memory_space<vmem>> -> memref<64xi32, #tpu.memory_space<vmem>>
    %dma_start3A_21 = arith.constant 0 : i32
    %dma_start3A_22 = arith.constant 0 : i32
    %dma_start3A_23 = tpu.memref_slice %arg2[%dma_start3A_21, %dma_start3A_22] : memref<32768x1024xf32, #tpu.memory_space<hbm>> -> memref<32768x1024xf32, #tpu.memory_space<hbm>>
    tpu.enqueue_indirect_dma source(%dma_start3A_23 : memref<32768x1024xf32, #tpu.memory_space<hbm>>) target(%arg6 : memref<64x1024xf32, #tpu.memory_space<vmem>>) offsets(%dma_start3A_20 : memref<64xi32, #tpu.memory_space<vmem>>) semaphore(%arg7 : memref<!tpu.dma_semaphore, #tpu.memory_space<semaphore_mem>>)
    %dma_wait3A_24 = arith.constant 1 : i32
    %dma_wait3A_25 = arith.constant 0 : i32
    %dma_wait3A_26 = tpu.memref_slice %arg5[%dma_wait3A_24, %dma_wait3A_25] : memref<2x64xi32, #tpu.memory_space<vmem>> -> memref<1x64xi32, #tpu.memory_space<vmem>>
    %dma_wait3A_27 = tpu.memref_squeeze %dma_wait3A_26 : memref<1x64xi32, #tpu.memory_space<vmem>> -> memref<64xi32, #tpu.memory_space<vmem>>
    %dma_wait3A_28 = arith.constant 0 : i32
    %dma_wait3A_29 = arith.constant 0 : i32
    %dma_wait3A_30 = tpu.memref_slice %arg2[%dma_wait3A_28, %dma_wait3A_29] : memref<32768x1024xf32, #tpu.memory_space<hbm>> -> memref<32768x1024xf32, #tpu.memory_space<hbm>>
    tpu.wait_indirect_dma semaphore(%arg7 : memref<!tpu.dma_semaphore, #tpu.memory_space<semaphore_mem>>) src(%dma_wait3A_30 : memref<32768x1024xf32, #tpu.memory_space<hbm>>) dst(%arg6 : memref<64x1024xf32, #tpu.memory_space<vmem>>)
    %mul3A_31 = arith.constant 128 : i32
    %mul3A_32 = arith.muli %add3A, %mul3A_31 : i32
    %add3A_33 = arith.constant 64 : i32
    %add3A_34 = arith.addi %mul3A_32, %add3A_33 : i32
    "tpu.region"() ({
      %run_scoped3A = tpu.sem_alloc : memref<!tpu.dma_semaphore, #tpu.memory_space<semaphore_mem>>
      %dma_start3A_35 = arith.constant 0 : i32
      %dma_start3A_36 = tpu.memref_slice %arg4[%add3A_34, %dma_start3A_35] : memref<4096x1024xf32, #tpu.memory_space<hbm>> -> memref<64x1024xf32, #tpu.memory_space<hbm>>
      %dma_start3A_37 = arith.constant 0 : i32
      %dma_start3A_38 = tpu.memref_slice %arg4[%add3A_34, %dma_start3A_37] : memref<4096x1024xf32, #tpu.memory_space<hbm>> -> memref<64x1024xf32, #tpu.memory_space<hbm>>
      tpu.enqueue_dma source(%arg6 : memref<64x1024xf32, #tpu.memory_space<vmem>>) target(%dma_start3A_38 : memref<64x1024xf32, #tpu.memory_space<hbm>>) target_semaphore(%run_scoped3A : memref<!tpu.dma_semaphore, #tpu.memory_space<semaphore_mem>>)
      %dma_wait3A_39 = arith.constant 0 : i32
      %dma_wait3A_40 = tpu.memref_slice %arg4[%add3A_34, %dma_wait3A_39] : memref<4096x1024xf32, #tpu.memory_space<hbm>> -> memref<64x1024xf32, #tpu.memory_space<hbm>>
      %dma_wait3A_41 = arith.constant 0 : i32
      %dma_wait3A_42 = tpu.memref_slice %arg4[%add3A_34, %dma_wait3A_41] : memref<4096x1024xf32, #tpu.memory_space<hbm>> -> memref<64x1024xf32, #tpu.memory_space<hbm>>
      tpu.wait_dma2 semaphore(%run_scoped3A : memref<!tpu.dma_semaphore, #tpu.memory_space<semaphore_mem>>) src(%arg6 : memref<64x1024xf32, #tpu.memory_space<vmem>>) dst(%dma_wait3A_42 : memref<64x1024xf32, #tpu.memory_space<hbm>>)
      tpu.yield
    }) : () -> ()
    return
  }
}

</mosaic_0001>

<sc_bundles>
// kernel: kernel.3.cloned.1.call-start
scs
__scs_entry_jumppad:
0x0: {  	(pc) =	sbr.rel $0x88, $3  }
0x1: {  	(tag) =	ssettag $0x0;
	lr =	simm.s32 $0x1  }
0x2: {  	[smem:$0x3F9A] =	sst lr;
	_ =	strace $0xD0000000  }
0x3: {  	_ = 	snop  }
0x4: {  	_ = 	snop  }
0x5: {  	_ = 	snop  }
0x6: {  	_ = 	snop  }
0x7: {  	_ = 	snop  }
__scs_overlays_trampoline_lowered:
0x8: {  	[smem:$0x3FA9] =	sst s0  }
0x9: {  	[smem:$0x3FAA] =	sst s1  }
0xa: {  	[smem:$0x3FAB] =	sst s2  }
0xb: {  	[smem:$0x3FAC] =	sst s3  }
0xc: {  	[smem:$0x3FAD] =	sst s4  }
0xd: {  	[smem:$0x3FAE] =	sst s5  }
0xe: {  	[smem:$0x3FAF] =	sst s6  }
0xf: {  	[smem:$0x3FB0] =	sst s7  }
0x10: {  	[smem:$0x3FB1] =	sst s8  }
0x11: {  	[smem:$0x3FB2] =	sst s9;
	s0 =	simm.s32 @!p0 $0x0  }
0x12: {  	s1 =	sld [smem:$0x3F98];
	s0 =	simm.s32 @p0 $0x1  }
0x13: {  	[smem:$0x3FB3] =	sst s0;
	s0 =	simm.s32 @!p1 $0x0  }
0x14: {  	s2 =	sld [smem:$0x3F97];
	s0 =	simm.s32 @p1 $0x1  }
0x15: {  	[smem:$0x3FB4] =	sst s0;
	s0 =	simm.s32 @!p2 $0x0  }
0x16: {  	s3 =	sld [smem:$0x3FDB];
	s0 =	simm.s32 @p2 $0x1  }
0x17: {  	s4 =	simm.s32 $0x1BF5;
	[smem:$0x3FB6] =	sst s0  }
0x18: {  	s0 =	sld [smem:$0x3F99];
	_ =	swait.ge [sflag:s4], $0x0  }
0x19: {  	s7 =	sld [smem:$0x3F9A]  }
0x1a: {  	s8 =	sadd.s32 $0xFFFFE003, lr  }
0x1b: {  	s9 =	sadd.s32 $0xFFFFFEF7, lr;
	s5 =	simm.s32 $0xFFFFFFFF;
	p2 =	slt.u32 s8, $0xFFFFF086  }
0x1c: {  	p1 =	slt.u32 s9, $0xF7A;
	s5 =	simm.s32 @!p2 $0x0  }
0x1d: {  	s5 =	simm.s32 @p1 $0x1;
	p0 =	seq.s32 s7, s2  }
0x1e: {  	s7 =	smul.u32 @!p0 $0xF7A, s2;
	p2 =	seq.s32 @!p0 s5, $0x0  }
0x1f: {  	s9 =	smul.u32 $0xF7A, s1;
	s8 =	simm.s32 @!p0 $0x1BF5;
	p2 =	por !p2, p0  }
0x20: {  	[sflag:s8] =	ssyncset.s32 @!p0 $0xFFFFF086;
	s6 =	sadd.s32 @!p0 s3, s7;
	s7 =	simm.s32 @!p0 $0x108  }
0x21: {  	s3 =	sadd.s32 s3, s9;
	s6 =	sadd.s32 @!p0 $0x88, s6;
	s7 =	simm.s32 @p2 $0x1082  }
0x22: {  	[simem:s7], [sflag:s8] =	dma.local @!p0 [hbm:s6], $0xF7A  }
0x23: {  	s9 =	sor.u32 $0xD0000000, s2;
	s6 =	simm.s32 $0x108;
	_ =	swait.ge @!p0 [sflag:s8], $0x0  }
0x24: {  	s3 =	sadd.s32 $0x88, s3;
	s6 =	simm.s32 @!p1 $0x1082;
	[sflag:s4] =	ssyncset.s32 $0xFFFFF086  }
0x25: {  	[simem:s6], [sflag:s4] =	dma.local [hbm:s3], $0xF7A  }
0x26: {  	[smem:$0x3F9A] =	sst s1;
	(tag) =	ssettag s2;
	_ =	strace s9  }
0x27: {  	s1 =	sld [smem:$0x3FAA]  }
0x28: {  	s2 =	sld [smem:$0x3FAB]  }
0x29: {  	s4 =	sld [smem:$0x3FAD]  }
0x2a: {  	p0 =	seq.s32 s5, $0x0;
	s5 =	sld [smem:$0x3FAE]  }
0x2b: {  	s6 =	sld [smem:$0x3FAF]  }
0x2c: {  	s7 =	sld [smem:$0x3FB0]  }
0x2d: {  	s3 =	simm.s32 $0x108;
	s8 =	sld [smem:$0x3FB1]  }
0x2e: {  	s3 =	simm.s32 @!p0 $0x1082;
	s9 =	sld [smem:$0x3FB2]  }
0x2f: {  	lr =	sadd.s32 s0, s3;
	s0 =	sld [smem:$0x3FA9]  }
0x30: {  	s3 =	sld [smem:$0x3FAC]  }
0x31: {  	[smem:$0x3FB5] =	sst s10  }
0x32: {  	s10 =	sld [smem:$0x3FB3];
	_ =	sdelay $0x3  }
0x33: {  	p0 =	seq.s32 s10, $0x1;
	s10 =	sld [smem:$0x3FB5];
	_ =	sdelay $0x3  }
0x34: {  	[smem:$0x3FB5] =	sst s10  }
0x35: {  	s10 =	sld [smem:$0x3FB4];
	_ =	sdelay $0x3  }
0x36: {  	p1 =	seq.s32 s10, $0x1;
	s10 =	sld [smem:$0x3FB5];
	_ =	sdelay $0x3  }
0x37: {  	[smem:$0x3FB5] =	sst s10  }
0x38: {  	s10 =	sld [smem:$0x3FB6]  }
0x39: {  	_ = 	snop;
	(pc) =	sbr.ind lr, $3  }
0x3a: {  	_ = 	snop  }
0x3b: {  	_ = 	snop  }
0x3c: {  	p2 =	seq.s32 s10, $0x1;
	s10 =	sld [smem:$0x3FB5]  }
0x3d: {  	_ =	shalt  }
0x3e: {  	_ =	shalt  }
0x3f: {  	_ =	shalt  }
0x40: {  	_ =	shalt  }
0x41: {  	_ =	shalt  }
0x42: {  	_ =	shalt  }
0x43: {  	_ =	shalt  }
0x44: {  	_ =	shalt  }
0x45: {  	_ =	shalt  }
0x46: {  	_ =	shalt  }
0x47: {  	_ =	shalt  }
0x48: {  	_ =	shalt  }
0x49: {  	_ =	shalt  }
0x4a: {  	_ =	shalt  }
0x4b: {  	_ =	shalt  }
0x4c: {  	_ =	shalt  }
0x4d: {  	_ =	shalt  }
0x4e: {  	_ =	shalt  }
0x4f: {  	_ =	shalt  }
0x50: {  	_ =	shalt  }
0x51: {  	_ =	shalt  }
0x52: {  	_ =	shalt  }
0x53: {  	_ =	shalt  }
0x54: {  	_ =	shalt  }
0x55: {  	_ =	shalt  }
0x56: {  	_ =	shalt  }
0x57: {  	_ =	shalt  }
0x58: {  	_ =	shalt  }
0x59: {  	_ =	shalt  }
0x5a: {  	_ =	shalt  }
0x5b: {  	_ =	shalt  }
0x5c: {  	_ =	shalt  }
0x5d: {  	_ =	shalt  }
0x5e: {  	_ =	shalt  }
0x5f: {  	_ =	shalt  }
0x60: {  	_ =	shalt  }
0x61: {  	_ =	shalt  }
0x62: {  	_ =	shalt  }
0x63: {  	_ =	shalt  }
0x64: {  	_ =	shalt  }
0x65: {  	_ =	shalt  }
0x66: {  	_ =	shalt  }
0x67: {  	_ =	shalt  }
0x68: {  	_ =	shalt  }
0x69: {  	_ =	shalt  }
0x6a: {  	_ =	shalt  }
0x6b: {  	_ =	shalt  }
0x6c: {  	_ =	shalt  }
0x6d: {  	_ =	shalt  }
0x6e: {  	_ =	shalt  }
0x6f: {  	_ =	shalt  }
0x70: {  	_ =	shalt  }
0x71: {  	_ =	shalt  }
0x72: {  	_ =	shalt  }
0x73: {  	_ =	shalt  }
0x74: {  	_ =	shalt  }
0x75: {  	_ =	shalt  }
0x76: {  	_ =	shalt  }
0x77: {  	_ =	shalt  }
0x78: {  	_ =	shalt  }
0x79: {  	_ =	shalt  }
0x7a: {  	_ =	shalt  }
0x7b: {  	_ =	shalt  }
0x7c: {  	_ =	shalt  }
0x7d: {  	_ =	shalt  }
0x7e: {  	_ =	shalt  }
0x7f: {  	_ =	shalt  }
0x80: {  	_ =	shalt  }
0x81: {  	_ =	shalt  }
0x82: {  	_ =	shalt  }
0x83: {  	_ =	shalt  }
0x84: {  	_ =	shalt  }
0x85: {  	_ =	shalt  }
0x86: {  	_ =	shalt  }
0x87: {  	_ =	shalt  }
.Lfunc_end0:
.L_simem_size_0:
called_computation_lowered:
.L_overlay_start_0:
0x88: {  	s2 =	sld [smem:$0x3FD9]  }
0x89: {  	s3 =	sld [smem:$0x3FFE];
	_ =	sdelay $0x1  }
0x8a: {  	s1 =	srdreg.scid  }
0x8b: {  	s0 =	sand.u32 $0x1, s1  }
0x8c: {  	s14 =	sshll.u32 s0, $0xA;
	s2 =	sadd.s32 s3, s2  }
0x8d: {  	s2 =	sadd.s32 s2, s14  }
0x8e: {  	[smem:$0x3FC1] =	sst s2  }
0x8f: {  	_ = 	snop  }
0x90: {  	s2 =	sld [smem:$0x3FD0];
	_ =	sdelay $0x2  }
0x91: {  	s4 =	simm.s32 $0xA;
	s5 =	simm.s32 $0x10;
	s15 =	sld [smem:$0x3FC9]  }
0x92: {  	[smem:s5], [sflag:s4] =	dma.local [hbm:s2], $0x1  }
0x93: {  	_ =	swait.eq [sflag:s4], $0x1  }
0x94: {  	[sflag:s4] =	ssyncset.done $0x0  }
0x95: {  	[sflag:s4] =	ssyncadd.s32 $0xFFFFFFFF  }
0x96: {  	s16 =	sld [smem:$0x10];
	(tm) =	ssettm $0x1  }
0x97: {  	s17 =	sld [smem:$0x3FFB];
	_ =	sdelay $0x3  }
0x98: {  	_ =	strace s17  }
0x99: {  	s4 =	sld [smem:$0x3FFC];
	_ =	sdelay $0x3  }
0x9a: {  	_ =	strace s4  }
0x9b: {  	s4 =	sld [smem:$0x3FFD];
	_ =	sdelay $0x3  }
0x9c: {  	_ =	strace s4  }
0x9d: {  	_ =	strace $0x8FFFFFFF  }
0x9e: {  	s18 =	sld [smem:$0x3FDB];
	_ =	sdelay $0x1  }
0x9f: {  	s19 =	simm.s32 $_scs_section_size  }
0xa0: {  	s6 =	simm.s32 $_size__tile_overlayer_lowered;
	s7 =	simm.s32 $_tile_overlayer_lowered  }
0xa1: {  	s22 =	simm.s32 $0x1BFF;
	s21 =	sshll.u32 s7, $0x1;
	s4 =	sadd.s32 s19, s18  }
0xa2: {  	s8 =	simm.s32 $0x0;
	s20 =	sshll.u32 s6, $0x1;
	s6 =	sadd.s32 s21, s4  }
0xa3: {  	[timem:s8], [sflag:s22] =	dma.local [hbm:s6], s20  }
0xa4: {  	_ =	swait.ge [sflag:s22], s20  }
0xa5: {  	s5 =	ssub.s32 $0x0, s20;
	[sflag:s22] =	ssyncset.done $0x0  }
0xa6: {  	[sflag:s22] =	ssyncadd.s32 s5;
	_ =	sdelay $0x1  }
0xa7: {  	s23 =	simm.s32 $0x1B8B  }
0xa8: {  	_ =	swait.ge [sflag:s23], $0x1  }
0xa9: {  	[sflag:s23] =	ssyncset.done $0x0  }
0xaa: {  	s25 =	simm.s32 $0x1B8E;
	s24 =	sld [smem:$0x3FFE];
	[sflag:s23] =	ssyncadd.s32 $0xFFFFFFFF  }
0xab: {  	s26 =	simm.s32 $execute0_lowered;
	[smem:$0x3FD2] =	sst s25  }
0xac: {  	s6 =	sshll.u32 s26, $0x1;
	_ =	strace $0x80000046;
	[dreg:$0x1] =	wrdreg $0xFFFFFFFF  }
0xad: {  	s28 =	simm.s32 $_size_execute0_lowered;
	s4 =	sadd.s32 s4, s6;
	[dreg:$0x0] =	wrdreg $0x0  }
0xae: {  	s6 =	sshll.u32 s28, $0x1;
	[dreg:$0x2] =	wrdreg s4  }
0xaf: {  	[dreg:$0x3] =	wrdreg s6  }
0xb0: {  	[dreg:$0x4] =	wrdreg $0xC0  }
0xb1: {  	_ =	task [dreg:s8], $0x5FFFF  }
0xb2: {  	[dreg:$0x1] =	wrdreg $0xFFFFFFFF  }
0xb3: {  	[dreg:$0x0] =	wrdreg $0x60  }
0xb4: {  	[dreg:$0x2] =	wrdreg s15  }
0xb5: {  	[dreg:$0x3] =	wrdreg s16  }
0xb6: {  	[dreg:$0x4] =	wrdreg s24  }
0xb7: {  	[dreg:$0x5] =	wrdreg $0x9  }
0xb8: {  	_ =	task.clear_ibuf [dreg:s8], $0x6FFFF;
	_ =	strace $0x90000046  }
0xb9: {  	s29 =	simm.s32 $0x9;
	_ =	strace $0x80000048  }
0xba: {  	_ =	swait.ge [sflag:s29], $0x1  }
0xbb: {  	[sflag:s29] =	ssyncadd.s32 $0xFFFFFFFF  }
0xbc: {  	_ =	strace $0x90000048  }
0xbd: {  	_ =	sfence  }
0xbe: {  	s30 =	sld [smem:$0x0];
	_ =	sdelay $0x2  }
0xbf: {  	s31 =	sshll.u32 s1, $0xD;
	s1 =	sshrl.u32 s1, $0x2  }
0xc0: {  	s3 =	sand.u32 $0x4000, s31;
	s1 =	sadd.s32 s1, s30  }
0xc1: {  	s0 =	sor.u32 s3, s0;
	s1 =	sshll.u32 s1, $0x11  }
0xc2: {  	s0 =	sor.u32 s1, s0  }
0xc3: {  	s0 =	sadd.s32 $0x8F2B, s0  }
0xc4: {  	[sflag:s0] =	ssyncadd.remote.s32 $0x1  }
0xc5: {  	_ =	sfence.sel $0xFFFF  }
0xc6: {  	[dreg:$0x0] =	wrdreg $0xFFFFFFFF;
	(pc) =	sbr.abs _section_cstart, $3  }
0xc7: {  	[dreg:$0x1] =	wrdreg $0xFFFFFFFF  }
0xc8: {  	_ =	task.clear_ibuf [dreg:s8], $0x2FFFF;
	_ =	strace $0x9FFFFFFF  }
0xc9: {  	(tm) =	ssettm $0x7FFFFFFF  }
tec
execute0_lowered:
.L_overlay_start_1:
0x0: {  	(tag) =	ssettag $0x1  }
0x1: {  	s1 =	rddreg [dreg:$0x0]  }
0x2: {  	s0 =	rddreg [dreg:$0x1]  }
0x3: {  	s2 =	rddreg [dreg:$0x2];
	s4 =	srdreg.scid  }
0x4: {  	s5 =	stileid.u32;
	s3 =	simm.s32 $0x0;
	s9 =	simm.s32 $0x2  }
0x5: {  	s19 =	simm.s32 $0x1;
	s21 =	simm.s32 $0x900;
	s22 =	simm.s32 $0x1100  }
0x6: {  	s23 =	simm.s32 $0x1900;
	s28 =	simm.s32 $0x3900;
	s29 =	simm.s32 $0x4100  }
0x7: {  	s30 =	simm.s32 $0x4900;
	s31 =	simm.s32 $0x5100;
	s11 =	simm.s32 $0x6900  }
0x8: {  	s12 =	simm.s32 $0x7100;
	s13 =	simm.s32 $0x7900;
	s14 =	simm.s32 $0x8900  }
0x9: {  	s15 =	simm.s32 $0x9100;
	s16 =	simm.s32 $0x9900;
	s17 =	simm.s32 $0xA100  }
0xa: {  	s18 =	simm.s32 $0xA900;
	s10 =	simm.s32 $0xB100;
	s4 =	sand.u32 $0x1, s4  }
0xb: {  	s5 =	sshll.u32 s5, $0x1;
	[smem:$0x7FF] =	sst s3;
	s6 =	ssub.s32 $0x2, s4  }
0xc: {  	s4 =	sor.u32 s4, s5;
	_ =	strace $0x80000047;
	s24 =	sshrl.u32 s6, $0x1  }
0xd: {  	s7 =	sshll.u32 s4, $0x5;
	s25 =	sshll.u32 s4, $0xE;
	s4 =	sadd.s32 $0x100, s1  }
0xe: {  	s5 =	ssub.s32 s6, s24;
	s0 =	sadd.s32 s0, s7;
	s26 =	sadd.s32 s2, s25  }
0xf: {  	s6 =	sadd.s32 $0x200, s1;
	s7 =	sadd.s32 $0x300, s1;
	[dreg:$0x4] =	wrdreg s0  }
0x10: {  	v2 =	vlaneseq.u32;
	s24 =	simm.s32 $0x2100;
	s25 =	simm.s32 $0x2900;
	[dreg:$0x6] =	wrdreg s26  }
0x11: {  	vm0 =	vmmov $0xffff;
	v1 =	vshrl.u32 v2, $0x3;
	s0 =	sadd.s32 $0x2000, s26;
	s8 =	smax.u32 s5, $0x1;
	s26 =	simm.s32 $0x3100  }
0x12: {  	v0 =	vand.u32 $0x7, v2;
	v2 =	vor.u32 $0x8, v2;
	v1 =	vmul.u32 $0x8, v1;
	s5 =	simm.s32 $0x8100;
	[dreg:$0x5] =	wrdreg s0;
	s0 =	simm.s32 $0x100  }
.LBB2_1:
0x13: {  	s20 =	rddreg [dreg:$0x4]  }
0x14: {  	[tilespmem:s3], [sflag:$0x2] =	stream.linear.gather [hbm4b:s20+s3], $0x100, $0x38;
	[tilespmem:$0x10100] =	vst v63  }
0x15: {  	_ =	swait.ge [sflag:s9], $0x100  }
0x16: {  	[sflag:s9] =	ssyncset.done $0x0  }
0x17: {  	[sflag:s9] =	ssyncadd.s32 $0xFFFFFF00  }
0x18: {  	v3 =	vld [tilespmem:$0x0];
	_ =	sdelay $0x4  }
0x19: {  	v4 =	vshll.u32 v3, $0x3  }
0x1a: {  	v3 =	vand.u32 $0x7, v3;
	v4 =	vand.u32 $0xFFFFFFC0, v4  }
0x1b: {  	v3 =	vor.u32 v3, v4  }
0x1c: {  	v4 =	vperm.xlane v3, v0;
	_ =	sdelay $0x1  }
0x1d: {  	v4 =	vadd.s32 v1, v4;
	_ =	sdelay $0x4  }
0x1e: {  	[tilespmem:s0], [sflag:$0x1] =	stream.indirect_vreg.gather [hbm4b:s1+s3], $0x80, v4, vm0, $0xb8;
	[tilespmem:$0x10100] =	vst v63  }
0x1f: {  	v3 =	vperm.xlane v3, v2  }
0x20: {  	[tilespmem:s21], [sflag:$0x1] =	stream.indirect_vreg.gather [hbm4b:s4+s3], $0x80, v4, vm0, $0xb8;
	[tilespmem:$0x10100] =	vst v63  }
0x21: {  	v3 =	vadd.s32 v1, v3  }
0x22: {  	[tilespmem:s22], [sflag:$0x1] =	stream.indirect_vreg.gather [hbm4b:s6+s3], $0x80, v4, vm0, $0xb8;
	[tilespmem:$0x10100] =	vst v63  }
0x23: {  	_ = 	snop  }
0x24: {  	[tilespmem:s23], [sflag:$0x1] =	stream.indirect_vreg.gather [hbm4b:s7+s3], $0x80, v4, vm0, $0xb8;
	[tilespmem:$0x10100] =	vst v63  }
0x25: {  	_ = 	snop  }
0x26: {  	[tilespmem:s24], [sflag:$0x1] =	stream.indirect_vreg.gather [hbm4b:s1+s3], $0x80, v3, vm0, $0xb8;
	[tilespmem:$0x10100] =	vst v63  }
0x27: {  	_ = 	snop  }
0x28: {  	[tilespmem:s25], [sflag:$0x1] =	stream.indirect_vreg.gather [hbm4b:s4+s3], $0x80, v3, vm0, $0xb8;
	[tilespmem:$0x10100] =	vst v63  }
0x29: {  	_ = 	snop  }
0x2a: {  	[tilespmem:s26], [sflag:$0x1] =	stream.indirect_vreg.gather [hbm4b:s6+s3], $0x80, v3, vm0, $0xb8;
	[tilespmem:$0x10100] =	vst v63  }
0x2b: {  	_ = 	snop  }
0x2c: {  	[tilespmem:s28], [sflag:$0x1] =	stream.indirect_vreg.gather [hbm4b:s7+s3], $0x80, v3, vm0, $0xb8;
	[tilespmem:$0x10100] =	vst v63  }
0x2d: {  	v3 =	vld [tilespmem:$0x10];
	_ =	sdelay $0x4  }
0x2e: {  	v57 =	vshll.u32 v3, $0x3  }
0x2f: {  	v3 =	vand.u32 $0x7, v3;
	v4 =	vand.u32 $0xFFFFFFC0, v57  }
0x30: {  	v3 =	vor.u32 v3, v4  }
0x31: {  	v4 =	vperm.xlane v3, v0;
	_ =	sdelay $0x1  }
0x32: {  	v4 =	vadd.s32 v1, v4;
	_ =	sdelay $0x4  }
0x33: {  	[tilespmem:s29], [sflag:$0x1] =	stream.indirect_vreg.gather [hbm4b:s1+s3], $0x80, v4, vm0, $0xb8;
	[tilespmem:$0x10100] =	vst v63  }
0x34: {  	v3 =	vperm.xlane v3, v2  }
0x35: {  	[tilespmem:s30], [sflag:$0x1] =	stream.indirect_vreg.gather [hbm4b:s4+s3], $0x80, v4, vm0, $0xb8;
	[tilespmem:$0x10100] =	vst v63  }
0x36: {  	v3 =	vadd.s32 v1, v3  }
0x37: {  	[tilespmem:s31], [sflag:$0x1] =	stream.indirect_vreg.gather [hbm4b:s6+s3], $0x80, v4, vm0, $0xb8;
	[tilespmem:$0x10100] =	vst v63  }
0x38: {  	s2 =	simm.s32 $0x5900  }
0x39: {  	[tilespmem:s2], [sflag:$0x1] =	stream.indirect_vreg.gather [hbm4b:s7+s3], $0x80, v4, vm0, $0xb8;
	[tilespmem:$0x10100] =	vst v63  }
0x3a: {  	s2 =	simm.s32 $0x6100  }
0x3b: {  	[tilespmem:s2], [sflag:$0x1] =	stream.indirect_vreg.gather [hbm4b:s1+s3], $0x80, v3, vm0, $0xb8;
	[tilespmem:$0x10100] =	vst v63  }
0x3c: {  	_ = 	snop  }
0x3d: {  	[tilespmem:s11], [sflag:$0x1] =	stream.indirect_vreg.gather [hbm4b:s4+s3], $0x80, v3, vm0, $0xb8;
	[tilespmem:$0x10100] =	vst v63  }
0x3e: {  	_ = 	snop  }
0x3f: {  	[tilespmem:s12], [sflag:$0x1] =	stream.indirect_vreg.gather [hbm4b:s6+s3], $0x80, v3, vm0, $0xb8;
	[tilespmem:$0x10100] =	vst v63  }
0x40: {  	_ = 	snop  }
0x41: {  	[tilespmem:s13], [sflag:$0x1] =	stream.indirect_vreg.gather [hbm4b:s7+s3], $0x80, v3, vm0, $0xb8;
	[tilespmem:$0x10100] =	vst v63  }
0x42: {  	v3 =	vld [tilespmem:$0x20];
	_ =	sdelay $0x4  }
0x43: {  	v58 =	vshll.u32 v3, $0x3  }
0x44: {  	v3 =	vand.u32 $0x7, v3;
	v4 =	vand.u32 $0xFFFFFFC0, v58  }
0x45: {  	v3 =	vor.u32 v3, v4  }
0x46: {  	v4 =	vperm.xlane v3, v0;
	_ =	sdelay $0x1  }
0x47: {  	v4 =	vadd.s32 v1, v4;
	_ =	sdelay $0x4  }
0x48: {  	[tilespmem:s5], [sflag:$0x1] =	stream.indirect_vreg.gather [hbm4b:s1+s3], $0x80, v4, vm0, $0xb8;
	[tilespmem:$0x10100] =	vst v63  }
0x49: {  	v3 =	vperm.xlane v3, v2  }
0x4a: {  	[tilespmem:s14], [sflag:$0x1] =	stream.indirect_vreg.gather [hbm4b:s4+s3], $0x80, v4, vm0, $0xb8;
	[tilespmem:$0x10100] =	vst v63  }
0x4b: {  	v3 =	vadd.s32 v1, v3  }
0x4c: {  	[tilespmem:s15], [sflag:$0x1] =	stream.indirect_vreg.gather [hbm4b:s6+s3], $0x80, v4, vm0, $0xb8;
	[tilespmem:$0x10100] =	vst v63  }
0x4d: {  	_ = 	snop  }
0x4e: {  	[tilespmem:s16], [sflag:$0x1] =	stream.indirect_vreg.gather [hbm4b:s7+s3], $0x80, v4, vm0, $0xb8;
	[tilespmem:$0x10100] =	vst v63  }
0x4f: {  	_ = 	snop  }
0x50: {  	[tilespmem:s17], [sflag:$0x1] =	stream.indirect_vreg.gather [hbm4b:s1+s3], $0x80, v3, vm0, $0xb8;
	[tilespmem:$0x10100] =	vst v63  }
0x51: {  	_ = 	snop  }
0x52: {  	[tilespmem:s18], [sflag:$0x1] =	stream.indirect_vreg.gather [hbm4b:s4+s3], $0x80, v3, vm0, $0xb8;
	[tilespmem:$0x10100] =	vst v63  }
0x53: {  	_ = 	snop  }
0x54: {  	[tilespmem:s10], [sflag:$0x1] =	stream.indirect_vreg.gather [hbm4b:s6+s3], $0x80, v3, vm0, $0xb8;
	[tilespmem:$0x10100] =	vst v63  }
0x55: {  	s20 =	simm.s32 $0xB900  }
0x56: {  	[tilespmem:s20], [sflag:$0x1] =	stream.indirect_vreg.gather [hbm4b:s7+s3], $0x80, v3, vm0, $0xb8;
	[tilespmem:$0x10100] =	vst v63  }
0x57: {  	v3 =	vld [tilespmem:$0x30];
	_ =	sdelay $0x4  }
0x58: {  	v59 =	vshll.u32 v3, $0x3  }
0x59: {  	v3 =	vand.u32 $0x7, v3;
	v4 =	vand.u32 $0xFFFFFFC0, v59  }
0x5a: {  	v3 =	vor.u32 v3, v4  }
0x5b: {  	v4 =	vperm.xlane v3, v0;
	_ =	sdelay $0x1  }
0x5c: {  	v4 =	vadd.s32 v1, v4;
	_ =	sdelay $0x3  }
0x5d: {  	s20 =	simm.s32 $0xC100  }
0x5e: {  	[tilespmem:s20], [sflag:$0x1] =	stream.indirect_vreg.gather [hbm4b:s1+s3], $0x80, v4, vm0, $0xb8;
	[tilespmem:$0x10100] =	vst v63  }
0x5f: {  	v3 =	vperm.xlane v3, v2;
	s20 =	simm.s32 $0xC900  }
0x60: {  	[tilespmem:s20], [sflag:$0x1] =	stream.indirect_vreg.gather [hbm4b:s4+s3], $0x80, v4, vm0, $0xb8;
	[tilespmem:$0x10100] =	vst v63  }
0x61: {  	v3 =	vadd.s32 v1, v3;
	s20 =	simm.s32 $0xD100  }
0x62: {  	[tilespmem:s20], [sflag:$0x1] =	stream.indirect_vreg.gather [hbm4b:s6+s3], $0x80, v4, vm0, $0xb8;
	[tilespmem:$0x10100] =	vst v63  }
0x63: {  	s20 =	simm.s32 $0xD900  }
0x64: {  	[tilespmem:s20], [sflag:$0x1] =	stream.indirect_vreg.gather [hbm4b:s7+s3], $0x80, v4, vm0, $0xb8;
	[tilespmem:$0x10100] =	vst v63  }
0x65: {  	s20 =	simm.s32 $0xE100  }
0x66: {  	[tilespmem:s20], [sflag:$0x1] =	stream.indirect_vreg.gather [hbm4b:s1+s3], $0x80, v3, vm0, $0xb8;
	[tilespmem:$0x10100] =	vst v63  }
0x67: {  	s20 =	simm.s32 $0xE900  }
0x68: {  	[tilespmem:s20], [sflag:$0x1] =	stream.indirect_vreg.gather [hbm4b:s4+s3], $0x80, v3, vm0, $0xb8;
	[tilespmem:$0x10100] =	vst v63  }
0x69: {  	s20 =	simm.s32 $0xF100  }
0x6a: {  	[tilespmem:s20], [sflag:$0x1] =	stream.indirect_vreg.gather [hbm4b:s6+s3], $0x80, v3, vm0, $0xb8;
	[tilespmem:$0x10100] =	vst v63  }
0x6b: {  	s20 =	simm.s32 $0xF900  }
0x6c: {  	[tilespmem:s20], [sflag:$0x1] =	stream.indirect_vreg.gather [hbm4b:s7+s3], $0x80, v3, vm0, $0xb8;
	[tilespmem:$0x10100] =	vst v63  }
0x6d: {  	_ =	swait.ge [sflag:s19], $0x10000  }
0x6e: {  	[sflag:s19] =	ssyncset.done $0x0  }
0x6f: {  	s20 =	rddreg [dreg:$0x6];
	[sflag:s19] =	ssyncadd.s32 $0xFFFF0000  }
0x70: {  	[hbm4b:s20+s3] =	stream.linear.scatter [tilespmem:s0], [sflag:$0x2], $0x10000, $0x38;
	[tilespmem:$0x10100] =	vst v63  }
0x71: {  	_ =	swait.ge [sflag:s9], $0x10000  }
0x72: {  	[sflag:s9] =	ssyncset.done $0x0  }
0x73: {  	[sflag:s9] =	ssyncadd.s32 $0xFFFF0000  }
0x74: {  	v3 =	vld [tilespmem:$0x80];
	_ =	sdelay $0x4  }
0x75: {  	v60 =	vshll.u32 v3, $0x3  }
0x76: {  	v3 =	vand.u32 $0x7, v3;
	v4 =	vand.u32 $0xFFFFFFC0, v60  }
0x77: {  	v3 =	vor.u32 v3, v4  }
0x78: {  	v4 =	vperm.xlane v3, v0;
	_ =	sdelay $0x1  }
0x79: {  	v4 =	vadd.s32 v1, v4;
	_ =	sdelay $0x4  }
0x7a: {  	[tilespmem:s0], [sflag:$0x1] =	stream.indirect_vreg.gather [hbm4b:s1+s3], $0x80, v4, vm0, $0xb8;
	[tilespmem:$0x10100] =	vst v63  }
0x7b: {  	v3 =	vperm.xlane v3, v2  }
0x7c: {  	[tilespmem:s21], [sflag:$0x1] =	stream.indirect_vreg.gather [hbm4b:s4+s3], $0x80, v4, vm0, $0xb8;
	[tilespmem:$0x10100] =	vst v63  }
0x7d: {  	v3 =	vadd.s32 v1, v3  }
0x7e: {  	[tilespmem:s22], [sflag:$0x1] =	stream.indirect_vreg.gather [hbm4b:s6+s3], $0x80, v4, vm0, $0xb8;
	[tilespmem:$0x10100] =	vst v63  }
0x7f: {  	_ = 	snop  }
0x80: {  	[tilespmem:s23], [sflag:$0x1] =	stream.indirect_vreg.gather [hbm4b:s7+s3], $0x80, v4, vm0, $0xb8;
	[tilespmem:$0x10100] =	vst v63  }
0x81: {  	_ = 	snop  }
0x82: {  	[tilespmem:s24], [sflag:$0x1] =	stream.indirect_vreg.gather [hbm4b:s1+s3], $0x80, v3, vm0, $0xb8;
	[tilespmem:$0x10100] =	vst v63  }
0x83: {  	_ = 	snop  }
0x84: {  	[tilespmem:s25], [sflag:$0x1] =	stream.indirect_vreg.gather [hbm4b:s4+s3], $0x80, v3, vm0, $0xb8;
	[tilespmem:$0x10100] =	vst v63  }
0x85: {  	_ = 	snop  }
0x86: {  	[tilespmem:s26], [sflag:$0x1] =	stream.indirect_vreg.gather [hbm4b:s6+s3], $0x80, v3, vm0, $0xb8;
	[tilespmem:$0x10100] =	vst v63  }
0x87: {  	_ = 	snop  }
0x88: {  	[tilespmem:s28], [sflag:$0x1] =	stream.indirect_vreg.gather [hbm4b:s7+s3], $0x80, v3, vm0, $0xb8;
	[tilespmem:$0x10100] =	vst v63  }
0x89: {  	v3 =	vld [tilespmem:$0x90];
	_ =	sdelay $0x4  }
0x8a: {  	v61 =	vshll.u32 v3, $0x3  }
0x8b: {  	v3 =	vand.u32 $0x7, v3;
	v4 =	vand.u32 $0xFFFFFFC0, v61  }
0x8c: {  	v3 =	vor.u32 v3, v4  }
0x8d: {  	v4 =	vperm.xlane v3, v0;
	_ =	sdelay $0x1  }
0x8e: {  	v4 =	vadd.s32 v1, v4;
	_ =	sdelay $0x4  }
0x8f: {  	[tilespmem:s29], [sflag:$0x1] =	stream.indirect_vreg.gather [hbm4b:s1+s3], $0x80, v4, vm0, $0xb8;
	[tilespmem:$0x10100] =	vst v63  }
0x90: {  	v3 =	vperm.xlane v3, v2  }
0x91: {  	[tilespmem:s30], [sflag:$0x1] =	stream.indirect_vreg.gather [hbm4b:s4+s3], $0x80, v4, vm0, $0xb8;
	[tilespmem:$0x10100] =	vst v63  }
0x92: {  	v3 =	vadd.s32 v1, v3  }
0x93: {  	[tilespmem:s31], [sflag:$0x1] =	stream.indirect_vreg.gather [hbm4b:s6+s3], $0x80, v4, vm0, $0xb8;
	[tilespmem:$0x10100] =	vst v63  }
0x94: {  	s20 =	simm.s32 $0x5900  }
0x95: {  	[tilespmem:s20], [sflag:$0x1] =	stream.indirect_vreg.gather [hbm4b:s7+s3], $0x80, v4, vm0, $0xb8;
	[tilespmem:$0x10100] =	vst v63  }
0x96: {  	_ = 	snop  }
0x97: {  	[tilespmem:s2], [sflag:$0x1] =	stream.indirect_vreg.gather [hbm4b:s1+s3], $0x80, v3, vm0, $0xb8;
	[tilespmem:$0x10100] =	vst v63  }
0x98: {  	_ = 	snop  }
0x99: {  	[tilespmem:s11], [sflag:$0x1] =	stream.indirect_vreg.gather [hbm4b:s4+s3], $0x80, v3, vm0, $0xb8;
	[tilespmem:$0x10100] =	vst v63  }
0x9a: {  	_ = 	snop  }
0x9b: {  	[tilespmem:s12], [sflag:$0x1] =	stream.indirect_vreg.gather [hbm4b:s6+s3], $0x80, v3, vm0, $0xb8;
	[tilespmem:$0x10100] =	vst v63  }
0x9c: {  	_ = 	snop  }
0x9d: {  	[tilespmem:s13], [sflag:$0x1] =	stream.indirect_vreg.gather [hbm4b:s7+s3], $0x80, v3, vm0, $0xb8;
	[tilespmem:$0x10100] =	vst v63  }
0x9e: {  	v3 =	vld [tilespmem:$0xA0];
	_ =	sdelay $0x4  }
0x9f: {  	v62 =	vshll.u32 v3, $0x3  }
0xa0: {  	v3 =	vand.u32 $0x7, v3;
	v4 =	vand.u32 $0xFFFFFFC0, v62  }
0xa1: {  	v3 =	vor.u32 v3, v4  }
0xa2: {  	v4 =	vperm.xlane v3, v0;
	_ =	sdelay $0x1  }
0xa3: {  	v4 =	vadd.s32 v1, v4;
	_ =	sdelay $0x4  }
0xa4: {  	[tilespmem:s5], [sflag:$0x1] =	stream.indirect_vreg.gather [hbm4b:s1+s3], $0x80, v4, vm0, $0xb8;
	[tilespmem:$0x10100] =	vst v63  }
0xa5: {  	v3 =	vperm.xlane v3, v2  }
0xa6: {  	[tilespmem:s14], [sflag:$0x1] =	stream.indirect_vreg.gather [hbm4b:s4+s3], $0x80, v4, vm0, $0xb8;
	[tilespmem:$0x10100] =	vst v63  }
0xa7: {  	v3 =	vadd.s32 v1, v3  }
0xa8: {  	[tilespmem:s15], [sflag:$0x1] =	stream.indirect_vreg.gather [hbm4b:s6+s3], $0x80, v4, vm0, $0xb8;
	[tilespmem:$0x10100] =	vst v63  }
0xa9: {  	_ = 	snop  }
0xaa: {  	[tilespmem:s16], [sflag:$0x1] =	stream.indirect_vreg.gather [hbm4b:s7+s3], $0x80, v4, vm0, $0xb8;
	[tilespmem:$0x10100] =	vst v63  }
0xab: {  	_ = 	snop  }
0xac: {  	[tilespmem:s17], [sflag:$0x1] =	stream.indirect_vreg.gather [hbm4b:s1+s3], $0x80, v3, vm0, $0xb8;
	[tilespmem:$0x10100] =	vst v63  }
0xad: {  	_ = 	snop  }
0xae: {  	[tilespmem:s18], [sflag:$0x1] =	stream.indirect_vreg.gather [hbm4b:s4+s3], $0x80, v3, vm0, $0xb8;
	[tilespmem:$0x10100] =	vst v63  }
0xaf: {  	_ = 	snop  }
0xb0: {  	[tilespmem:s10], [sflag:$0x1] =	stream.indirect_vreg.gather [hbm4b:s6+s3], $0x80, v3, vm0, $0xb8;
	[tilespmem:$0x10100] =	vst v63  }
0xb1: {  	s20 =	simm.s32 $0xB900  }
0xb2: {  	[tilespmem:s20], [sflag:$0x1] =	stream.indirect_vreg.gather [hbm4b:s7+s3], $0x80, v3, vm0, $0xb8;
	[tilespmem:$0x10100] =	vst v63  }
0xb3: {  	v3 =	vld [tilespmem:$0xB0];
	_ =	sdelay $0x4  }
0xb4: {  	v63 =	vshll.u32 v3, $0x3  }
0xb5: {  	v3 =	vand.u32 $0x7, v3;
	v4 =	vand.u32 $0xFFFFFFC0, v63  }
0xb6: {  	v3 =	vor.u32 v3, v4  }
0xb7: {  	v4 =	vperm.xlane v3, v0;
	_ =	sdelay $0x1  }
0xb8: {  	v4 =	vadd.s32 v1, v4;
	_ =	sdelay $0x3  }
0xb9: {  	s20 =	simm.s32 $0xC100  }
0xba: {  	[tilespmem:s20], [sflag:$0x1] =	stream.indirect_vreg.gather [hbm4b:s1+s3], $0x80, v4, vm0, $0xb8;
	[tilespmem:$0x10100] =	vst v63  }
0xbb: {  	v3 =	vperm.xlane v3, v2;
	s20 =	simm.s32 $0xC900  }
0xbc: {  	[tilespmem:s20], [sflag:$0x1] =	stream.indirect_vreg.gather [hbm4b:s4+s3], $0x80, v4, vm0, $0xb8;
	[tilespmem:$0x10100] =	vst v63  }
0xbd: {  	v3 =	vadd.s32 v1, v3;
	s20 =	simm.s32 $0xD100  }
0xbe: {  	[tilespmem:s20], [sflag:$0x1] =	stream.indirect_vreg.gather [hbm4b:s6+s3], $0x80, v4, vm0, $0xb8;
	[tilespmem:$0x10100] =	vst v63  }
0xbf: {  	s20 =	simm.s32 $0xD900  }
0xc0: {  	[tilespmem:s20], [sflag:$0x1] =	stream.indirect_vreg.gather [hbm4b:s7+s3], $0x80, v4, vm0, $0xb8;
	[tilespmem:$0x10100] =	vst v63  }
0xc1: {  	s20 =	simm.s32 $0xE100  }
0xc2: {  	[tilespmem:s20], [sflag:$0x1] =	stream.indirect_vreg.gather [hbm4b:s1+s3], $0x80, v3, vm0, $0xb8;
	[tilespmem:$0x10100] =	vst v63  }
0xc3: {  	s20 =	simm.s32 $0xE900  }
0xc4: {  	[tilespmem:s20], [sflag:$0x1] =	stream.indirect_vreg.gather [hbm4b:s4+s3], $0x80, v3, vm0, $0xb8;
	[tilespmem:$0x10100] =	vst v63  }
0xc5: {  	s20 =	simm.s32 $0xF100  }
0xc6: {  	[tilespmem:s20], [sflag:$0x1] =	stream.indirect_vreg.gather [hbm4b:s6+s3], $0x80, v3, vm0, $0xb8;
	[tilespmem:$0x10100] =	vst v63  }
0xc7: {  	s20 =	simm.s32 $0xF900  }
0xc8: {  	[tilespmem:s20], [sflag:$0x1] =	stream.indirect_vreg.gather [hbm4b:s7+s3], $0x80, v3, vm0, $0xb8;
	[tilespmem:$0x10100] =	vst v63  }
0xc9: {  	_ =	swait.ge [sflag:s19], $0x10000  }
0xca: {  	p0 =	sne.s32 s8, $0x1;
	[sflag:s19] =	ssyncset.done $0x0  }
.Ltmp0:
0xcb: {  	s2 =	rddreg [dreg:$0x5];
	[sflag:s19] =	ssyncadd.s32 $0xFFFF0000;
	(pc) =	sbr.rel @p0 .LBB2_1-.Ltmp0, $4  }
0xcc: {  	[hbm4b:s2+s3] =	stream.linear.scatter [tilespmem:s0], [sflag:$0x2], $0x10000, $0x38;
	[tilespmem:$0x10100] =	vst v63  }
0xcd: {  	_ =	swait.ge [sflag:s9], $0x10000  }
0xce: {  	[sflag:s9] =	ssyncset.done $0x0  }
0xcf: {  	s8 =	sadd.s32 $0xFFFFFFFF, s8;
	[sflag:s9] =	ssyncadd.s32 $0xFFFF0000  }
0xd0: {  	_ =	sfence.sel $0x180000  }
0xd1: {  	[bflag:$0x0] =	sbarrier.arrive $0xFFFF  }
0xd2: {  	_ =	strace $0x90000047  }
0xd3: {  	s0 =	stileid.u32;
	[bflag:$0x2] =	sbarrier.arrive $0xFFFF  }
0xd4: {  	p0 =	sne.s32 s0, $0x0;
	s0 =	rddreg [dreg:$0x3]  }
0xd5: {  	s0 =	sadd.s32 @!p0 $0x100000, s0  }
0xd6: {  	[sflag:s0] =	ssyncadd.tile.s32 @!p0 $0x1;
	_ =	shalt  }
.Lfunc_end2:
_tile_overlayer_lowered:
.L_overlay_start_2:
0xd7: {  	(tag) =	ssettag $0x2  }
0xd8: {  	s0 =	rddreg [dreg:$0x0];
	s2 =	stileid.u32  }
0xd9: {  	s1 =	rddreg [dreg:$0x1];
	p0 =	sne.s32 s2, $0x0  }
0xda: {  	s3 =	rddreg [dreg:$0x2];
	[bflag:$0x3] =	sbarrier.arrive $0xFFFF;
	s2 =	simm.s32 @!p0 $0x1C02  }
0xdb: {  	[timem:s3], [sflag:s2] =	dma.local @!p0 [hbm:s0], s1  }
0xdc: {  	s0 =	simm.s32 @!p0 $0x2  }
0xdd: {  	_ =	swait.ge @!p0 [sflag:s0], s1  }
0xde: {  	s1 =	ssub.s32 @!p0 $0x0, s1;
	[sflag:s0] =	ssyncset.done @!p0 $0x0  }
0xdf: {  	[sflag:s0] =	ssyncadd.s32 @!p0 s1  }
0xe0: {  	[bflag:$0x3] =	sbarrier.arrive $0xFFFF  }
0xe1: {  	_ =	shalt  }

</sc_bundles>
